<compile_context>
chip_gen: v7x
topology: tpu7x:2x2x1
jax: 0.10.2.dev20260603
libtpu: 0.0.44.dev20260713+nightly
codegen_flags: <defaults>
</compile_context>

<pallas_src>
import functools
import jax
import jax.numpy as jnp
from jax import lax
from jax.experimental import pallas as pl
from jax.experimental.pallas import tpu as pltpu
from jax.experimental.pallas import tpu_sc as plsc

N = 32768
D = 512
B = 16
BN = 4096
NB = N // BN

NC = 2
NS = 16
NW = NC * NS
NT = N // NW
K = 64
NCHUNK = NT // K


def _reduce_kernel(x_ref, w_ref, b_ref, batch_ref, means_ref, acc_ref, cnt_ref):
    s = pl.program_id(0)

    @pl.when(s == 0)
    def _init():
        acc_ref[...] = jnp.zeros_like(acc_ref)
        cnt_ref[...] = jnp.zeros_like(cnt_ref)

    bvec = batch_ref[0, 0, :]
    seg_iota = lax.broadcasted_iota(jnp.int32, (BN, B), 1)
    onehot = (bvec[:, None] == seg_iota).astype(jnp.float32)

    xb = x_ref[...]
    logit = jnp.sum(xb * w_ref[0, :][None, :], axis=1, keepdims=True) + b_ref[0]
    weighted = xb * jax.nn.sigmoid(logit)
    acc_ref[...] += jnp.dot(onehot.T, weighted, preferred_element_type=jnp.float32)
    cnt_ref[0, :] += jnp.sum(onehot, axis=0)

    @pl.when(s == pl.num_programs(0) - 1)
    def _fin():
        inv = 1.0 / jnp.maximum(cnt_ref[0, :], 1.0)
        means_ref[...] = acc_ref[...] * inv[:, None]


def _sc_emit_kernel(x_hbm, means_hbm, batch_hbm, dsto_hbm, dste_hbm, out_hbm,
                    idx_v, dsto_v, dste_v, ctx_v, xrow_v, sem0, sem1):
    wid = lax.axis_index("s") * NC + lax.axis_index("c")
    tbase = wid * NT

    def chunk(i, _):
        base = tbase + i * K
        pltpu.sync_copy(batch_hbm.at[pl.ds(base, K)], idx_v)
        pltpu.sync_copy(dsto_hbm.at[pl.ds(base, K)], dsto_v)
        pltpu.sync_copy(dste_hbm.at[pl.ds(base, K)], dste_v)
        pltpu.async_copy(means_hbm.at[idx_v], ctx_v, sem0).wait()
        pltpu.sync_copy(x_hbm.at[pl.ds(base, K)], xrow_v)
        pltpu.async_copy(xrow_v, out_hbm.at[dste_v], sem0).wait()
        pltpu.async_copy(ctx_v, out_hbm.at[dsto_v], sem1).wait()
        return ()

    lax.fori_loop(0, NCHUNK, chunk, ())


def kernel(x, W, b, batch):
    batch32 = batch.astype(jnp.int32)
    batch_r = batch32.reshape(NB, 1, BN)
    w_row = W.reshape(1, D)

    means = pl.pallas_call(
        _reduce_kernel,
        grid=(NB,),
        in_specs=[
            pl.BlockSpec((BN, D), lambda s: (s, 0)),
            pl.BlockSpec((1, D), lambda s: (0, 0)),
            pl.BlockSpec(memory_space=pltpu.SMEM),
            pl.BlockSpec((1, 1, BN), lambda s: (s, 0, 0)),
        ],
        out_specs=pl.BlockSpec((B, D), lambda s: (0, 0)),
        out_shape=jax.ShapeDtypeStruct((B, D), jnp.float32),
        scratch_shapes=[
            pltpu.VMEM((B, D), jnp.float32),
            pltpu.VMEM((1, B), jnp.float32),
        ],
    )(x, w_row, b, batch_r)

    rows = jnp.arange(N, dtype=jnp.int32)
    dst_even = rows * 2
    dst_odd = rows * 2 + 1

    mesh = plsc.VectorSubcoreMesh(core_axis_name="c", subcore_axis_name="s")
    emit = functools.partial(
        pl.kernel,
        out_type=jax.ShapeDtypeStruct((2 * N, D), jnp.float32),
        mesh=mesh,
        scratch_types=[
            pltpu.VMEM((K,), jnp.int32),
            pltpu.VMEM((K,), jnp.int32),
            pltpu.VMEM((K,), jnp.int32),
            pltpu.VMEM((K, D), jnp.float32),
            pltpu.VMEM((K, D), jnp.float32),
            pltpu.SemaphoreType.DMA,
            pltpu.SemaphoreType.DMA,
        ],
    )(_sc_emit_kernel)

    out2 = emit(x, means, batch32, dst_odd, dst_even)
    return out2.reshape(N, 2 * D)

# --- scband reference (transcript-rebuilt; emitter-appended) ---
"""Pipeline reference for scband-global-attention-layer-14851996909782 (READ-ONLY COPY).

The authoritative reference and input builder live on the scoring server;
editing this copy changes nothing except your own understanding.
"""

import jax, jax.numpy as jnp
import numpy as np

N = 32768
D = 512
B = 16

def setup_inputs(seed: int = 0) -> dict:
    key = jax.random.key(seed)
    k1, k2, k3 = jax.random.split(key, 3)
    x = jax.random.normal(k1, (N, D), dtype=jnp.float32)
    batch = jnp.sort(jax.random.randint(k2, (N,), 0, B)).astype(jnp.int64)
    # nn.Linear(in_channels, 1): weight [1, D], bias [1]. Store as W [D, 1] for x @ W.
    W = (jax.random.uniform(k3, (D, 1), dtype=jnp.float32) * 2.0 - 1.0) * (1.0 / np.sqrt(D))
    b = jnp.zeros((1,), dtype=jnp.float32)
    return {"x": x, "W": W, "b": b, "batch": batch}

def reference(x, W, b, batch):
    # attn_weights = sigmoid(Linear(x))  -> [N, 1]
    attn = jax.nn.sigmoid(x @ W + b)
    weighted = x * attn
    # global_mean_pool: segment mean over `batch`
    sums = jax.ops.segment_sum(weighted, batch, num_segments=B)
    counts = jax.ops.segment_sum(jnp.ones((x.shape[0], 1), dtype=x.dtype), batch, num_segments=B)
    global_context = sums / jnp.maximum(counts, 1.0)
    # gather per-token context and concat
    x_attended = jnp.concatenate([x, global_context[batch]], axis=-1)
    return x_attended

if __name__ == "__main__":
    import jax
    _d = setup_inputs()
    print(jax.jit(kernel)(*tuple(_d.values())))

</pallas_src>

<mosaic_0001>
#map = affine_map<(d0, d1) -> (0, 0)>
#map1 = affine_map<(d0, d1) -> (0)>
module attributes {stable_mosaic.version = 14 : i64} {
  func.func @_sc_emit_kernel(%arg0: i32, %arg1: i32, %arg2: memref<32768x512xf32, #tpu.memory_space<hbm>>, %arg3: memref<16x512xf32, #tpu.memory_space<hbm>>, %arg4: memref<32768xi32, #tpu.memory_space<hbm>>, %arg5: memref<32768xi32, #tpu.memory_space<hbm>>, %arg6: memref<32768xi32, #tpu.memory_space<hbm>>, %arg7: memref<65536x512xf32, #tpu.memory_space<hbm>>, %arg8: memref<64xi32, #tpu.memory_space<vmem>>, %arg9: memref<64xi32, #tpu.memory_space<vmem>>, %arg10: memref<64xi32, #tpu.memory_space<vmem>>, %arg11: memref<64x512xf32, #tpu.memory_space<vmem>>, %arg12: memref<64x512xf32, #tpu.memory_space<vmem>>, %arg13: memref<!tpu.dma_semaphore, #tpu.memory_space<semaphore_mem>>, %arg14: memref<!tpu.dma_semaphore, #tpu.memory_space<semaphore_mem>>) attributes {dimension_semantics = [#tpu.dimension_semantics<core_parallel>, #tpu.dimension_semantics<subcore_parallel>], iteration_bounds = array<i64: 2, 16>, scalar_prefetch = 0 : i64, scratch_operands = 7 : i64, tpu.core_type = #tpu.core_type<sc_vector_subcore>, window_params = [{transform_indices = #map}, {transform_indices = #map}, {transform_indices = #map1}, {transform_indices = #map1}, {transform_indices = #map1}, {transform_indices = #map}]} {
    %mul3A = arith.constant 2 : i32
    %mul3A_0 = arith.muli %arg1, %mul3A : i32
    %add3A = arith.addi %mul3A_0, %arg0 : i32
    %mul3A_1 = arith.constant 1024 : i32
    %mul3A_2 = arith.muli %add3A, %mul3A_1 : i32
    %scan3A = arith.constant 0 : i32
    %scan3A_3 = arith.constant 16 : i32
    %scan3A_4 = arith.addi %scan3A, %scan3A_3 : i32
    %scan3A_5 = arith.constant 1 : i32
    scf.for %scan3A_7 = %scan3A to %scan3A_4 step %scan3A_5  : i32 {
      %mul3A_8 = arith.constant 64 : i32
      %mul3A_9 = arith.muli %scan3A_7, %mul3A_8 : i32
      %add3A_10 = arith.addi %mul3A_2, %mul3A_9 : i32
      "tpu.region"() ({
        %run_scoped3A = tpu.sem_alloc : memref<!tpu.dma_semaphore, #tpu.memory_space<semaphore_mem>>
        %dma_start3A_27 = tpu.memref_slice %arg4[%add3A_10] : memref<32768xi32, #tpu.memory_space<hbm>> -> memref<64xi32, #tpu.memory_space<hbm>>
        %dma_start3A_28 = tpu.memref_slice %arg4[%add3A_10] : memref<32768xi32, #tpu.memory_space<hbm>> -> memref<64xi32, #tpu.memory_space<hbm>>
        tpu.enqueue_dma source(%dma_start3A_28 : memref<64xi32, #tpu.memory_space<hbm>>) target(%arg8 : memref<64xi32, #tpu.memory_space<vmem>>) target_semaphore(%run_scoped3A : memref<!tpu.dma_semaphore, #tpu.memory_space<semaphore_mem>>)
        %dma_wait3A_29 = tpu.memref_slice %arg4[%add3A_10] : memref<32768xi32, #tpu.memory_space<hbm>> -> memref<64xi32, #tpu.memory_space<hbm>>
        %dma_wait3A_30 = tpu.memref_slice %arg4[%add3A_10] : memref<32768xi32, #tpu.memory_space<hbm>> -> memref<64xi32, #tpu.memory_space<hbm>>
        tpu.wait_dma2 semaphore(%run_scoped3A : memref<!tpu.dma_semaphore, #tpu.memory_space<semaphore_mem>>) src(%dma_wait3A_30 : memref<64xi32, #tpu.memory_space<hbm>>) dst(%arg8 : memref<64xi32, #tpu.memory_space<vmem>>)
        tpu.yield
      }) : () -> ()
      "tpu.region"() ({
        %run_scoped3A = tpu.sem_alloc : memref<!tpu.dma_semaphore, #tpu.memory_space<semaphore_mem>>
        %dma_start3A_27 = tpu.memref_slice %arg5[%add3A_10] : memref<32768xi32, #tpu.memory_space<hbm>> -> memref<64xi32, #tpu.memory_space<hbm>>
        %dma_start3A_28 = tpu.memref_slice %arg5[%add3A_10] : memref<32768xi32, #tpu.memory_space<hbm>> -> memref<64xi32, #tpu.memory_space<hbm>>
        tpu.enqueue_dma source(%dma_start3A_28 : memref<64xi32, #tpu.memory_space<hbm>>) target(%arg9 : memref<64xi32, #tpu.memory_space<vmem>>) target_semaphore(%run_scoped3A : memref<!tpu.dma_semaphore, #tpu.memory_space<semaphore_mem>>)
        %dma_wait3A_29 = tpu.memref_slice %arg5[%add3A_10] : memref<32768xi32, #tpu.memory_space<hbm>> -> memref<64xi32, #tpu.memory_space<hbm>>
        %dma_wait3A_30 = tpu.memref_slice %arg5[%add3A_10] : memref<32768xi32, #tpu.memory_space<hbm>> -> memref<64xi32, #tpu.memory_space<hbm>>
        tpu.wait_dma2 semaphore(%run_scoped3A : memref<!tpu.dma_semaphore, #tpu.memory_space<semaphore_mem>>) src(%dma_wait3A_30 : memref<64xi32, #tpu.memory_space<hbm>>) dst(%arg9 : memref<64xi32, #tpu.memory_space<vmem>>)
        tpu.yield
      }) : () -> ()
      "tpu.region"() ({
        %run_scoped3A = tpu.sem_alloc : memref<!tpu.dma_semaphore, #tpu.memory_space<semaphore_mem>>
        %dma_start3A_27 = tpu.memref_slice %arg6[%add3A_10] : memref<32768xi32, #tpu.memory_space<hbm>> -> memref<64xi32, #tpu.memory_space<hbm>>
        %dma_start3A_28 = tpu.memref_slice %arg6[%add3A_10] : memref<32768xi32, #tpu.memory_space<hbm>> -> memref<64xi32, #tpu.memory_space<hbm>>
        tpu.enqueue_dma source(%dma_start3A_28 : memref<64xi32, #tpu.memory_space<hbm>>) target(%arg10 : memref<64xi32, #tpu.memory_space<vmem>>) target_semaphore(%run_scoped3A : memref<!tpu.dma_semaphore, #tpu.memory_space<semaphore_mem>>)
        %dma_wait3A_29 = tpu.memref_slice %arg6[%add3A_10] : memref<32768xi32, #tpu.memory_space<hbm>> -> memref<64xi32, #tpu.memory_space<hbm>>
        %dma_wait3A_30 = tpu.memref_slice %arg6[%add3A_10] : memref<32768xi32, #tpu.memory_space<hbm>> -> memref<64xi32, #tpu.memory_space<hbm>>
        tpu.wait_dma2 semaphore(%run_scoped3A : memref<!tpu.dma_semaphore, #tpu.memory_space<semaphore_mem>>) src(%dma_wait3A_30 : memref<64xi32, #tpu.memory_space<hbm>>) dst(%arg10 : memref<64xi32, #tpu.memory_space<vmem>>)
        tpu.yield
      }) : () -> ()
      %dma_start3A = arith.constant 0 : i32
      %dma_start3A_11 = arith.constant 0 : i32
      %dma_start3A_12 = tpu.memref_slice %arg3[%dma_start3A, %dma_start3A_11] : memref<16x512xf32, #tpu.memory_space<hbm>> -> memref<16x512xf32, #tpu.memory_space<hbm>>
      tpu.enqueue_indirect_dma source(%dma_start3A_12 : memref<16x512xf32, #tpu.memory_space<hbm>>) target(%arg11 : memref<64x512xf32, #tpu.memory_space<vmem>>) offsets(%arg8 : memref<64xi32, #tpu.memory_space<vmem>>) semaphore(%arg13 : memref<!tpu.dma_semaphore, #tpu.memory_space<semaphore_mem>>)
      %dma_wait3A = arith.constant 0 : i32
      %dma_wait3A_13 = arith.constant 0 : i32
      %dma_wait3A_14 = tpu.memref_slice %arg3[%dma_wait3A, %dma_wait3A_13] : memref<16x512xf32, #tpu.memory_space<hbm>> -> memref<16x512xf32, #tpu.memory_space<hbm>>
      tpu.wait_indirect_dma semaphore(%arg13 : memref<!tpu.dma_semaphore, #tpu.memory_space<semaphore_mem>>) src(%dma_wait3A_14 : memref<16x512xf32, #tpu.memory_space<hbm>>) dst(%arg11 : memref<64x512xf32, #tpu.memory_space<vmem>>)
      "tpu.region"() ({
        %run_scoped3A = tpu.sem_alloc : memref<!tpu.dma_semaphore, #tpu.memory_space<semaphore_mem>>
        %dma_start3A_27 = arith.constant 0 : i32
        %dma_start3A_28 = tpu.memref_slice %arg2[%add3A_10, %dma_start3A_27] : memref<32768x512xf32, #tpu.memory_space<hbm>> -> memref<64x512xf32, #tpu.memory_space<hbm>>
        %dma_start3A_29 = arith.constant 0 : i32
        %dma_start3A_30 = tpu.memref_slice %arg2[%add3A_10, %dma_start3A_29] : memref<32768x512xf32, #tpu.memory_space<hbm>> -> memref<64x512xf32, #tpu.memory_space<hbm>>
        tpu.enqueue_dma source(%dma_start3A_30 : memref<64x512xf32, #tpu.memory_space<hbm>>) target(%arg12 : memref<64x512xf32, #tpu.memory_space<vmem>>) target_semaphore(%run_scoped3A : memref<!tpu.dma_semaphore, #tpu.memory_space<semaphore_mem>>)
        %dma_wait3A_31 = arith.constant 0 : i32
        %dma_wait3A_32 = tpu.memref_slice %arg2[%add3A_10, %dma_wait3A_31] : memref<32768x512xf32, #tpu.memory_space<hbm>> -> memref<64x512xf32, #tpu.memory_space<hbm>>
        %dma_wait3A_33 = arith.constant 0 : i32
        %dma_wait3A_34 = tpu.memref_slice %arg2[%add3A_10, %dma_wait3A_33] : memref<32768x512xf32, #tpu.memory_space<hbm>> -> memref<64x512xf32, #tpu.memory_space<hbm>>
        tpu.wait_dma2 semaphore(%run_scoped3A : memref<!tpu.dma_semaphore, #tpu.memory_space<semaphore_mem>>) src(%dma_wait3A_34 : memref<64x512xf32, #tpu.memory_space<hbm>>) dst(%arg12 : memref<64x512xf32, #tpu.memory_space<vmem>>)
        tpu.yield
      }) : () -> ()
      %dma_start3A_15 = arith.constant 0 : i32
      %dma_start3A_16 = arith.constant 0 : i32
      %dma_start3A_17 = tpu.memref_slice %arg7[%dma_start3A_15, %dma_start3A_16] : memref<65536x512xf32, #tpu.memory_space<hbm>> -> memref<65536x512xf32, #tpu.memory_space<hbm>>
      tpu.enqueue_indirect_dma source(%arg12 : memref<64x512xf32, #tpu.memory_space<vmem>>) target(%dma_start3A_17 : memref<65536x512xf32, #tpu.memory_space<hbm>>) offsets(%arg10 : memref<64xi32, #tpu.memory_space<vmem>>) semaphore(%arg13 : memref<!tpu.dma_semaphore, #tpu.memory_space<semaphore_mem>>)
      %dma_wait3A_18 = arith.constant 0 : i32
      %dma_wait3A_19 = arith.constant 0 : i32
      %dma_wait3A_20 = tpu.memref_slice %arg7[%dma_wait3A_18, %dma_wait3A_19] : memref<65536x512xf32, #tpu.memory_space<hbm>> -> memref<65536x512xf32, #tpu.memory_space<hbm>>
      tpu.wait_indirect_dma semaphore(%arg13 : memref<!tpu.dma_semaphore, #tpu.memory_space<semaphore_mem>>) src(%arg12 : memref<64x512xf32, #tpu.memory_space<vmem>>) dst(%dma_wait3A_20 : memref<65536x512xf32, #tpu.memory_space<hbm>>)
      %dma_start3A_21 = arith.constant 0 : i32
      %dma_start3A_22 = arith.constant 0 : i32
      %dma_start3A_23 = tpu.memref_slice %arg7[%dma_start3A_21, %dma_start3A_22] : memref<65536x512xf32, #tpu.memory_space<hbm>> -> memref<65536x512xf32, #tpu.memory_space<hbm>>
      tpu.enqueue_indirect_dma source(%arg11 : memref<64x512xf32, #tpu.memory_space<vmem>>) target(%dma_start3A_23 : memref<65536x512xf32, #tpu.memory_space<hbm>>) offsets(%arg9 : memref<64xi32, #tpu.memory_space<vmem>>) semaphore(%arg14 : memref<!tpu.dma_semaphore, #tpu.memory_space<semaphore_mem>>)
      %dma_wait3A_24 = arith.constant 0 : i32
      %dma_wait3A_25 = arith.constant 0 : i32
      %dma_wait3A_26 = tpu.memref_slice %arg7[%dma_wait3A_24, %dma_wait3A_25] : memref<65536x512xf32, #tpu.memory_space<hbm>> -> memref<65536x512xf32, #tpu.memory_space<hbm>>
      tpu.wait_indirect_dma semaphore(%arg14 : memref<!tpu.dma_semaphore, #tpu.memory_space<semaphore_mem>>) src(%arg11 : memref<64x512xf32, #tpu.memory_space<vmem>>) dst(%dma_wait3A_26 : memref<65536x512xf32, #tpu.memory_space<hbm>>)
    }
    %scan3A_6 = arith.constant 16 : i32
    return
  }
}

module attributes {stable_mosaic.version = 14 : i64} {
  func.func @_reduce_kernel(%arg0: i32, %arg1: memref<4096x512xf32, #tpu.memory_space<vmem>>, %arg2: memref<1x512xf32, #tpu.memory_space<vmem>>, %arg3: memref<1xf32, #tpu.memory_space<smem>>, %arg4: memref<1x1x4096xi32, #tpu.memory_space<vmem>>, %arg5: memref<16x512xf32, #tpu.memory_space<vmem>>, %arg6: memref<16x512xf32, #tpu.memory_space<vmem>>, %arg7: memref<1x16xf32, #tpu.memory_space<vmem>>) attributes {dimension_semantics = [#tpu.dimension_semantics<arbitrary>], iteration_bounds = array<i64: 8>, scalar_prefetch = 0 : i64, scratch_operands = 2 : i64, tpu.core_type = #tpu.core_type<tc>, window_params = [{transform_indices = @transform_0, window_bounds = array<i64: 4096, 512>}, {pipeline_mode = #tpu.pipeline_mode<synchronous>, transform_indices = @transform_1, window_bounds = array<i64: 1, 512>}, {transform_indices = @transform_2, window_bounds = array<i64: 1>}, {transform_indices = @transform_3, window_bounds = array<i64: 1, 1, 4096>}, {pipeline_mode = #tpu.pipeline_mode<synchronous>, transform_indices = @transform_4, window_bounds = array<i64: 16, 512>}]} {
    %eq3A = arith.constant 0 : i32
    %eq3A_0 = arith.cmpi eq, %arg0, %eq3A : i32
    %convert_element_type3A = arith.extui %eq3A_0 : i1 to i32
    %cond3A = arith.constant 0 : i32
    %cond3A_1 = arith.cmpi ne, %convert_element_type3A, %cond3A : i32
    scf.if %cond3A_1 {
      %broadcast_in_dim3A_55 = arith.constant 0.000000e+00 : f32
      %broadcast_in_dim3A_56 = vector.broadcast %broadcast_in_dim3A_55 : f32 to vector<16x512xf32>
      %swap3A_57 = arith.constant 0 : index
      %swap3A_58 = arith.constant 0 : index
      %swap3A_59 = vector.load %arg6[%swap3A_57, %swap3A_58] : memref<16x512xf32, #tpu.memory_space<vmem>>, vector<16x512xf32>
      tpu.vector_store %arg6[%swap3A_57, %swap3A_58], %broadcast_in_dim3A_56 {strides = array<i32>} : memref<16x512xf32, #tpu.memory_space<vmem>>, vector<16x512xf32>,
      %broadcast_in_dim3A_60 = arith.constant 0.000000e+00 : f32
      %broadcast_in_dim3A_61 = vector.broadcast %broadcast_in_dim3A_60 : f32 to vector<1x16xf32>
      %swap3A_62 = arith.constant 0 : index
      %swap3A_63 = arith.constant 0 : index
      %swap3A_64 = vector.load %arg7[%swap3A_62, %swap3A_63] : memref<1x16xf32, #tpu.memory_space<vmem>>, vector<1x16xf32>
      tpu.vector_store %arg7[%swap3A_62, %swap3A_63], %broadcast_in_dim3A_61 {strides = array<i32>} : memref<1x16xf32, #tpu.memory_space<vmem>>, vector<1x16xf32>,
    } else {
    }
    %get3A = arith.constant 0 : index
    %get3A_2 = arith.constant 0 : index
    %get3A_3 = arith.constant 0 : index
    %get3A_4 = vector.load %arg4[%get3A, %get3A_2, %get3A_3] : memref<1x1x4096xi32, #tpu.memory_space<vmem>>, vector<1x1x4096xi32>
    %get3A_5 = vector.shape_cast %get3A_4 : vector<1x1x4096xi32> to vector<4096xi32>
    %iota3A = tpu.iota {dimensions = array<i32: 1>} : vector<4096x16xi32>
    %broadcast_in_dim3A = vector.shape_cast %get3A_5 : vector<4096xi32> to vector<4096x1xi32>
    %eq3A_6 = vector.broadcast %broadcast_in_dim3A : vector<4096x1xi32> to vector<4096x16xi32>
    %eq3A_7 = arith.cmpi eq, %eq3A_6, %iota3A : vector<4096x16xi32>
    %convert_element_type3A_8 = arith.extui %eq3A_7 : vector<4096x16xi1> to vector<4096x16xi32>
    %convert_element_type3A_9 = arith.sitofp %convert_element_type3A_8 : vector<4096x16xi32> to vector<4096x16xf32>
    %get3A_10 = arith.constant 0 : index
    %get3A_11 = arith.constant 0 : index
    %get3A_12 = vector.load %arg1[%get3A_10, %get3A_11] : memref<4096x512xf32, #tpu.memory_space<vmem>>, vector<4096x512xf32>
    %get3A_13 = arith.constant 0 : index
    %get3A_14 = arith.constant 0 : index
    %get3A_15 = vector.load %arg2[%get3A_13, %get3A_14] : memref<1x512xf32, #tpu.memory_space<vmem>>, vector<1x512xf32>
    %get3A_16 = vector.shape_cast %get3A_15 : vector<1x512xf32> to vector<512xf32>
    %broadcast_in_dim3A_17 = vector.shape_cast %get3A_16 : vector<512xf32> to vector<1x512xf32>
    %mul3A = vector.broadcast %broadcast_in_dim3A_17 : vector<1x512xf32> to vector<4096x512xf32>
    %mul3A_18 = arith.mulf %get3A_12, %mul3A : vector<4096x512xf32>
    %reduce_sum3A = arith.constant dense<0.000000e+00> : vector<4096xf32>
    %reduce_sum3A_19 = vector.multi_reduction <add>, %mul3A_18, %reduce_sum3A [1] : vector<4096x512xf32> to vector<4096xf32>
    %broadcast_in_dim3A_20 = vector.shape_cast %reduce_sum3A_19 : vector<4096xf32> to vector<4096x1xf32>
    %get3A_21 = arith.constant 0 : index
    %get3A_22 = memref.load %arg3[%get3A_21] : memref<1xf32, #tpu.memory_space<smem>>
    %add3A = vector.broadcast %get3A_22 : f32 to vector<4096x1xf32>
    %add3A_23 = arith.addf %broadcast_in_dim3A_20, %add3A : vector<4096x1xf32>
    %logistic3A = arith.negf %add3A_23 : vector<4096x1xf32>
    %logistic3A_24 = math.exp %logistic3A : vector<4096x1xf32>
    %logistic3A_25 = arith.constant 1.000000e+00 : f32
    %logistic3A_26 = vector.broadcast %logistic3A_25 : f32 to vector<4096x1xf32>
    %logistic3A_27 = arith.addf %logistic3A_26, %logistic3A_24 : vector<4096x1xf32>
    %logistic3A_28 = arith.divf %logistic3A_26, %logistic3A_27 : vector<4096x1xf32>
    %mul3A_29 = vector.broadcast %logistic3A_28 : vector<4096x1xf32> to vector<4096x512xf32>
    %mul3A_30 = arith.mulf %get3A_12, %mul3A_29 : vector<4096x512xf32>
    %get3A_31 = arith.constant 0 : index
    %get3A_32 = arith.constant 0 : index
    %get3A_33 = vector.load %arg6[%get3A_31, %get3A_32] : memref<16x512xf32, #tpu.memory_space<vmem>>, vector<16x512xf32>
    %transpose3A = tpu.transpose %convert_element_type3A_9, [1, 0] : vector<4096x16xf32> -> vector<16x4096xf32>
    %dot_general3A = arith.constant dense<0.000000e+00> : vector<16x512xf32>
    %dot_general3A_34 = tpu.matmul %transpose3A, %mul3A_30, %dot_general3A {dimension_numbers = #tpu.dot_dimension_numbers<[1], [0], [0], [1], [0, 0, 1, 1], [], []>, transpose_lhs_hint = false} : vector<16x4096xf32>, vector<4096x512xf32>, vector<16x512xf32> -> vector<16x512xf32>
    %add3A_35 = arith.addf %get3A_33, %dot_general3A_34 : vector<16x512xf32>
    %swap3A = arith.constant 0 : index
    %swap3A_36 = arith.constant 0 : index
    %swap3A_37 = vector.load %arg6[%swap3A, %swap3A_36] : memref<16x512xf32, #tpu.memory_space<vmem>>, vector<16x512xf32>
    tpu.vector_store %arg6[%swap3A, %swap3A_36], %add3A_35 {strides = array<i32>} : memref<16x512xf32, #tpu.memory_space<vmem>>, vector<16x512xf32>,
    %get3A_38 = arith.constant 0 : index
    %get3A_39 = arith.constant 0 : index
    %get3A_40 = vector.load %arg7[%get3A_38, %get3A_39] : memref<1x16xf32, #tpu.memory_space<vmem>>, vector<1x16xf32>
    %get3A_41 = vector.shape_cast %get3A_40 : vector<1x16xf32> to vector<16xf32>
    %reduce_sum3A_42 = arith.constant dense<0.000000e+00> : vector<16xf32>
    %reduce_sum3A_43 = vector.multi_reduction <add>, %convert_element_type3A_9, %reduce_sum3A_42 [0] : vector<4096x16xf32> to vector<16xf32>
    %add3A_44 = arith.addf %get3A_41, %reduce_sum3A_43 : vector<16xf32>
    %swap3A_45 = arith.constant 0 : index
    %swap3A_46 = arith.constant 0 : index
    %swap3A_47 = vector.load %arg7[%swap3A_45, %swap3A_46] : memref<1x16xf32, #tpu.memory_space<vmem>>, vector<1x16xf32>
    %swap3A_48 = vector.shape_cast %swap3A_47 : vector<1x16xf32> to vector<16xf32>
    %swap3A_49 = vector.shape_cast %add3A_44 : vector<16xf32> to vector<1x16xf32>
    tpu.vector_store %arg7[%swap3A_45, %swap3A_46], %swap3A_49 {strides = array<i32>} : memref<1x16xf32, #tpu.memory_space<vmem>>, vector<1x16xf32>,
    %eq3A_50 = arith.constant 7 : i32
    %eq3A_51 = arith.cmpi eq, %arg0, %eq3A_50 : i32
    %convert_element_type3A_52 = arith.extui %eq3A_51 : i1 to i32
    %cond3A_53 = arith.constant 0 : i32
    %cond3A_54 = arith.cmpi ne, %convert_element_type3A_52, %cond3A_53 : i32
    scf.if %cond3A_54 {
      %get3A_55 = arith.constant 0 : index
      %get3A_56 = arith.constant 0 : index
      %get3A_57 = vector.load %arg7[%get3A_55, %get3A_56] : memref<1x16xf32, #tpu.memory_space<vmem>>, vector<1x16xf32>
      %get3A_58 = vector.shape_cast %get3A_57 : vector<1x16xf32> to vector<16xf32>
      %max3A = arith.constant 1.000000e+00 : f32
      %max3A_59 = vector.broadcast %max3A : f32 to vector<16xf32>
      %max3A_60 = arith.maximumf %get3A_58, %max3A_59 : vector<16xf32>
      %div3A = arith.constant 1.000000e+00 : f32
      %div3A_61 = vector.broadcast %div3A : f32 to vector<16xf32>
      %div3A_62 = arith.divf %div3A_61, %max3A_60 : vector<16xf32>
      %get3A_63 = arith.constant 0 : index
      %get3A_64 = arith.constant 0 : index
      %get3A_65 = vector.load %arg6[%get3A_63, %get3A_64] : memref<16x512xf32, #tpu.memory_space<vmem>>, vector<16x512xf32>
      %broadcast_in_dim3A_66 = vector.shape_cast %div3A_62 : vector<16xf32> to vector<16x1xf32>
      %mul3A_67 = vector.broadcast %broadcast_in_dim3A_66 : vector<16x1xf32> to vector<16x512xf32>
      %mul3A_68 = arith.mulf %get3A_65, %mul3A_67 : vector<16x512xf32>
      %swap3A_69 = arith.constant 0 : index
      %swap3A_70 = arith.constant 0 : index
      %swap3A_71 = vector.load %arg5[%swap3A_69, %swap3A_70] : memref<16x512xf32, #tpu.memory_space<vmem>>, vector<16x512xf32>
      tpu.vector_store %arg5[%swap3A_69, %swap3A_70], %mul3A_68 {strides = array<i32>} : memref<16x512xf32, #tpu.memory_space<vmem>>, vector<16x512xf32>,
    } else {
    }
    return
  }
  func.func @transform_0(%arg0: i32) -> (i32, i32) {
    %c0_i32 = arith.constant 0 : i32
    %c0_i32_0 = arith.constant 0 : i32
    return %arg0, %c0_i32 : i32, i32
  }
  func.func @transform_1(%arg0: i32) -> (i32, i32) {
    %c0_i32 = arith.constant 0 : i32
    %c0_i32_0 = arith.constant 0 : i32
    %c0_i32_1 = arith.constant 0 : i32
    return %c0_i32, %c0_i32_0 : i32, i32
  }
  func.func @transform_2(%arg0: i32) -> i32 {
    %c0_i32 = arith.constant 0 : i32
    %c0_i32_0 = arith.constant 0 : i32
    return %c0_i32 : i32
  }
  func.func @transform_3(%arg0: i32) -> (i32, i32, i32) {
    %c0_i32 = arith.constant 0 : i32
    %c0_i32_0 = arith.constant 0 : i32
    %c0_i32_1 = arith.constant 0 : i32
    return %arg0, %c0_i32, %c0_i32_0 : i32, i32, i32
  }
  func.func @transform_4(%arg0: i32) -> (i32, i32) {
    %c0_i32 = arith.constant 0 : i32
    %c0_i32_0 = arith.constant 0 : i32
    %c0_i32_1 = arith.constant 0 : i32
    return %c0_i32, %c0_i32_0 : i32, i32
  }
}

</mosaic_0001>

<sc_bundles>
// kernel: kernel.4.cloned.1.call-start
scs
__scs_entry_jumppad:
0x0: {  	(pc) =	sbr.rel $0x88, $3  }
0x1: {  	(tag) =	ssettag $0x0;
	lr =	simm.s32 $0x1  }
0x2: {  	[smem:$0x3F9D] =	sst lr;
	_ =	strace $0xD0000000  }
0x3: {  	_ = 	snop  }
0x4: {  	_ = 	snop  }
0x5: {  	_ = 	snop  }
0x6: {  	_ = 	snop  }
0x7: {  	_ = 	snop  }
__scs_overlays_trampoline_lowered:
0x8: {  	[smem:$0x3FAC] =	sst s0  }
0x9: {  	[smem:$0x3FAD] =	sst s1  }
0xa: {  	[smem:$0x3FAE] =	sst s2  }
0xb: {  	[smem:$0x3FAF] =	sst s3  }
0xc: {  	[smem:$0x3FB0] =	sst s4  }
0xd: {  	[smem:$0x3FB1] =	sst s5  }
0xe: {  	[smem:$0x3FB2] =	sst s6  }
0xf: {  	[smem:$0x3FB3] =	sst s7  }
0x10: {  	[smem:$0x3FB4] =	sst s8  }
0x11: {  	[smem:$0x3FB5] =	sst s9;
	s0 =	simm.s32 @!p0 $0x0  }
0x12: {  	s1 =	sld [smem:$0x3F9B];
	s0 =	simm.s32 @p0 $0x1  }
0x13: {  	[smem:$0x3FB6] =	sst s0;
	s0 =	simm.s32 @!p1 $0x0  }
0x14: {  	s2 =	sld [smem:$0x3F9A];
	s0 =	simm.s32 @p1 $0x1  }
0x15: {  	[smem:$0x3FB7] =	sst s0;
	s0 =	simm.s32 @!p2 $0x0  }
0x16: {  	s3 =	sld [smem:$0x3FDB];
	s0 =	simm.s32 @p2 $0x1  }
0x17: {  	s4 =	simm.s32 $0x1BF5;
	[smem:$0x3FB9] =	sst s0  }
0x18: {  	s0 =	sld [smem:$0x3F9C];
	_ =	swait.ge [sflag:s4], $0x0  }
0x19: {  	s7 =	sld [smem:$0x3F9D]  }
0x1a: {  	s8 =	sadd.s32 $0xFFFFE003, lr  }
0x1b: {  	s9 =	sadd.s32 $0xFFFFFEF7, lr;
	s5 =	simm.s32 $0xFFFFFFFF;
	p2 =	slt.u32 s8, $0xFFFFF086  }
0x1c: {  	p1 =	slt.u32 s9, $0xF7A;
	s5 =	simm.s32 @!p2 $0x0  }
0x1d: {  	s5 =	simm.s32 @p1 $0x1;
	p0 =	seq.s32 s7, s2  }
0x1e: {  	s7 =	smul.u32 @!p0 $0xF7A, s2;
	p2 =	seq.s32 @!p0 s5, $0x0  }
0x1f: {  	s9 =	smul.u32 $0xF7A, s1;
	s8 =	simm.s32 @!p0 $0x1BF5;
	p2 =	por !p2, p0  }
0x20: {  	[sflag:s8] =	ssyncset.s32 @!p0 $0xFFFFF086;
	s6 =	sadd.s32 @!p0 s3, s7;
	s7 =	simm.s32 @!p0 $0x108  }
0x21: {  	s3 =	sadd.s32 s3, s9;
	s6 =	sadd.s32 @!p0 $0x88, s6;
	s7 =	simm.s32 @p2 $0x1082  }
0x22: {  	[simem:s7], [sflag:s8] =	dma.local @!p0 [hbm:s6], $0xF7A  }
0x23: {  	s9 =	sor.u32 $0xD0000000, s2;
	s6 =	simm.s32 $0x108;
	_ =	swait.ge @!p0 [sflag:s8], $0x0  }
0x24: {  	s3 =	sadd.s32 $0x88, s3;
	s6 =	simm.s32 @!p1 $0x1082;
	[sflag:s4] =	ssyncset.s32 $0xFFFFF086  }
0x25: {  	[simem:s6], [sflag:s4] =	dma.local [hbm:s3], $0xF7A  }
0x26: {  	[smem:$0x3F9D] =	sst s1;
	(tag) =	ssettag s2;
	_ =	strace s9  }
0x27: {  	s1 =	sld [smem:$0x3FAD]  }
0x28: {  	s2 =	sld [smem:$0x3FAE]  }
0x29: {  	s4 =	sld [smem:$0x3FB0]  }
0x2a: {  	p0 =	seq.s32 s5, $0x0;
	s5 =	sld [smem:$0x3FB1]  }
0x2b: {  	s6 =	sld [smem:$0x3FB2]  }
0x2c: {  	s7 =	sld [smem:$0x3FB3]  }
0x2d: {  	s3 =	simm.s32 $0x108;
	s8 =	sld [smem:$0x3FB4]  }
0x2e: {  	s3 =	simm.s32 @!p0 $0x1082;
	s9 =	sld [smem:$0x3FB5]  }
0x2f: {  	lr =	sadd.s32 s0, s3;
	s0 =	sld [smem:$0x3FAC]  }
0x30: {  	s3 =	sld [smem:$0x3FAF]  }
0x31: {  	[smem:$0x3FB8] =	sst s10  }
0x32: {  	s10 =	sld [smem:$0x3FB6];
	_ =	sdelay $0x3  }
0x33: {  	p0 =	seq.s32 s10, $0x1;
	s10 =	sld [smem:$0x3FB8];
	_ =	sdelay $0x3  }
0x34: {  	[smem:$0x3FB8] =	sst s10  }
0x35: {  	s10 =	sld [smem:$0x3FB7];
	_ =	sdelay $0x3  }
0x36: {  	p1 =	seq.s32 s10, $0x1;
	s10 =	sld [smem:$0x3FB8];
	_ =	sdelay $0x3  }
0x37: {  	[smem:$0x3FB8] =	sst s10  }
0x38: {  	s10 =	sld [smem:$0x3FB9]  }
0x39: {  	_ = 	snop;
	(pc) =	sbr.ind lr, $3  }
0x3a: {  	_ = 	snop  }
0x3b: {  	_ = 	snop  }
0x3c: {  	p2 =	seq.s32 s10, $0x1;
	s10 =	sld [smem:$0x3FB8]  }
0x3d: {  	_ =	shalt  }
0x3e: {  	_ =	shalt  }
0x3f: {  	_ =	shalt  }
0x40: {  	_ =	shalt  }
0x41: {  	_ =	shalt  }
0x42: {  	_ =	shalt  }
0x43: {  	_ =	shalt  }
0x44: {  	_ =	shalt  }
0x45: {  	_ =	shalt  }
0x46: {  	_ =	shalt  }
0x47: {  	_ =	shalt  }
0x48: {  	_ =	shalt  }
0x49: {  	_ =	shalt  }
0x4a: {  	_ =	shalt  }
0x4b: {  	_ =	shalt  }
0x4c: {  	_ =	shalt  }
0x4d: {  	_ =	shalt  }
0x4e: {  	_ =	shalt  }
0x4f: {  	_ =	shalt  }
0x50: {  	_ =	shalt  }
0x51: {  	_ =	shalt  }
0x52: {  	_ =	shalt  }
0x53: {  	_ =	shalt  }
0x54: {  	_ =	shalt  }
0x55: {  	_ =	shalt  }
0x56: {  	_ =	shalt  }
0x57: {  	_ =	shalt  }
0x58: {  	_ =	shalt  }
0x59: {  	_ =	shalt  }
0x5a: {  	_ =	shalt  }
0x5b: {  	_ =	shalt  }
0x5c: {  	_ =	shalt  }
0x5d: {  	_ =	shalt  }
0x5e: {  	_ =	shalt  }
0x5f: {  	_ =	shalt  }
0x60: {  	_ =	shalt  }
0x61: {  	_ =	shalt  }
0x62: {  	_ =	shalt  }
0x63: {  	_ =	shalt  }
0x64: {  	_ =	shalt  }
0x65: {  	_ =	shalt  }
0x66: {  	_ =	shalt  }
0x67: {  	_ =	shalt  }
0x68: {  	_ =	shalt  }
0x69: {  	_ =	shalt  }
0x6a: {  	_ =	shalt  }
0x6b: {  	_ =	shalt  }
0x6c: {  	_ =	shalt  }
0x6d: {  	_ =	shalt  }
0x6e: {  	_ =	shalt  }
0x6f: {  	_ =	shalt  }
0x70: {  	_ =	shalt  }
0x71: {  	_ =	shalt  }
0x72: {  	_ =	shalt  }
0x73: {  	_ =	shalt  }
0x74: {  	_ =	shalt  }
0x75: {  	_ =	shalt  }
0x76: {  	_ =	shalt  }
0x77: {  	_ =	shalt  }
0x78: {  	_ =	shalt  }
0x79: {  	_ =	shalt  }
0x7a: {  	_ =	shalt  }
0x7b: {  	_ =	shalt  }
0x7c: {  	_ =	shalt  }
0x7d: {  	_ =	shalt  }
0x7e: {  	_ =	shalt  }
0x7f: {  	_ =	shalt  }
0x80: {  	_ =	shalt  }
0x81: {  	_ =	shalt  }
0x82: {  	_ =	shalt  }
0x83: {  	_ =	shalt  }
0x84: {  	_ =	shalt  }
0x85: {  	_ =	shalt  }
0x86: {  	_ =	shalt  }
0x87: {  	_ =	shalt  }
.Lfunc_end0:
.L_simem_size_0:
called_computation_lowered:
.L_overlay_start_0:
0x88: {  	s2 =	sld [smem:$0x3FD9]  }
0x89: {  	s3 =	sld [smem:$0x3FFE];
	_ =	sdelay $0x1  }
0x8a: {  	s1 =	srdreg.scid  }
0x8b: {  	s0 =	sand.u32 $0x1, s1  }
0x8c: {  	s17 =	sshll.u32 s0, $0xA;
	s2 =	sadd.s32 s3, s2  }
0x8d: {  	s2 =	sadd.s32 s2, s17  }
0x8e: {  	[smem:$0x3FC4] =	sst s2  }
0x8f: {  	_ = 	snop  }
0x90: {  	s2 =	sld [smem:$0x3FC9]  }
0x91: {  	s18 =	sld [smem:$0x3FC6]  }
0x92: {  	s4 =	sld [smem:$0x3FD0];
	(tm) =	ssettm $0x1  }
0x93: {  	s5 =	sld [smem:$0x3FFB];
	_ =	sdelay $0x3  }
0x94: {  	_ =	strace s5  }
0x95: {  	s5 =	sld [smem:$0x3FFC];
	_ =	sdelay $0x3  }
0x96: {  	_ =	strace s5  }
0x97: {  	s5 =	sld [smem:$0x3FFD];
	_ =	sdelay $0x3  }
0x98: {  	_ =	strace s5  }
0x99: {  	_ =	strace $0x8FFFFFFF  }
0x9a: {  	s19 =	sld [smem:$0x3FDB];
	_ =	sdelay $0x1  }
0x9b: {  	s6 =	simm.s32 $_scs_section_size  }
0x9c: {  	s7 =	simm.s32 $_size__tile_overlayer_lowered;
	s8 =	simm.s32 $_tile_overlayer_lowered  }
0x9d: {  	s22 =	simm.s32 $0x1BFF;
	s21 =	sshll.u32 s8, $0x1;
	s5 =	sadd.s32 s6, s19  }
0x9e: {  	s9 =	simm.s32 $0x0;
	s20 =	sshll.u32 s7, $0x1;
	s7 =	sadd.s32 s21, s5  }
0x9f: {  	[timem:s9], [sflag:s22] =	dma.local [hbm:s7], s20  }
0xa0: {  	_ =	swait.ge [sflag:s22], s20  }
0xa1: {  	s6 =	ssub.s32 $0x0, s20;
	[sflag:s22] =	ssyncset.done $0x0  }
0xa2: {  	[sflag:s22] =	ssyncadd.s32 s6;
	_ =	sdelay $0x1  }
0xa3: {  	s23 =	simm.s32 $0x1B8B  }
0xa4: {  	_ =	swait.ge [sflag:s23], $0x1  }
0xa5: {  	[sflag:s23] =	ssyncset.done $0x0  }
0xa6: {  	s25 =	simm.s32 $0x1B8E;
	s24 =	sld [smem:$0x3FFE];
	[sflag:s23] =	ssyncadd.s32 $0xFFFFFFFF  }
0xa7: {  	s26 =	simm.s32 $execute0_lowered;
	[smem:$0x3FD2] =	sst s25  }
0xa8: {  	s7 =	sshll.u32 s26, $0x1;
	_ =	strace $0x80000046;
	[dreg:$0x1] =	wrdreg $0xFFFFFFFF  }
0xa9: {  	s28 =	simm.s32 $_size_execute0_lowered;
	s5 =	sadd.s32 s5, s7;
	[dreg:$0x0] =	wrdreg $0x0  }
0xaa: {  	s7 =	sshll.u32 s28, $0x1;
	[dreg:$0x2] =	wrdreg s5  }
0xab: {  	[dreg:$0x3] =	wrdreg s7  }
0xac: {  	[dreg:$0x4] =	wrdreg $0xC0  }
0xad: {  	_ =	task [dreg:s9], $0x5FFFF  }
0xae: {  	[dreg:$0x1] =	wrdreg $0xFFFFFFFF  }
0xaf: {  	[dreg:$0x0] =	wrdreg $0x60  }
0xb0: {  	[dreg:$0x2] =	wrdreg s2  }
0xb1: {  	[dreg:$0x3] =	wrdreg s24  }
0xb2: {  	[dreg:$0x4] =	wrdreg s18  }
0xb3: {  	[dreg:$0x5] =	wrdreg s4  }
0xb4: {  	[dreg:$0x6] =	wrdreg $0x9  }
0xb5: {  	_ =	task.clear_ibuf [dreg:s9], $0x7FFFF;
	_ =	strace $0x90000046  }
0xb6: {  	s29 =	simm.s32 $0x9;
	_ =	strace $0x80000048  }
0xb7: {  	_ =	swait.ge [sflag:s29], $0x1  }
0xb8: {  	[sflag:s29] =	ssyncadd.s32 $0xFFFFFFFF  }
0xb9: {  	_ =	strace $0x90000048  }
0xba: {  	_ =	sfence  }
0xbb: {  	s30 =	sld [smem:$0x0];
	_ =	sdelay $0x2  }
0xbc: {  	s31 =	sshll.u32 s1, $0xD;
	s1 =	sshrl.u32 s1, $0x2  }
0xbd: {  	s3 =	sand.u32 $0x4000, s31;
	s1 =	sadd.s32 s1, s30  }
0xbe: {  	s0 =	sor.u32 s3, s0;
	s1 =	sshll.u32 s1, $0x11  }
0xbf: {  	s0 =	sor.u32 s1, s0  }
0xc0: {  	s0 =	sadd.s32 $0x8F2B, s0  }
0xc1: {  	[sflag:s0] =	ssyncadd.remote.s32 $0x1  }
0xc2: {  	_ =	sfence.sel $0xFFFF  }
0xc3: {  	[dreg:$0x0] =	wrdreg $0xFFFFFFFF;
	(pc) =	sbr.abs _section_cstart, $3  }
0xc4: {  	[dreg:$0x1] =	wrdreg $0xFFFFFFFF  }
0xc5: {  	_ =	task.clear_ibuf [dreg:s9], $0x2FFFF;
	_ =	strace $0x9FFFFFFF  }
0xc6: {  	(tm) =	ssettm $0x7FFFFFFF  }
0xc7: {  	_ =	shalt  }
tec
execute0_lowered:
.L_overlay_start_1:
0x0: {  	(tag) =	ssettag $0x1  }
0x1: {  	s0 =	rddreg [dreg:$0x0]  }
0x2: {  	s6 =	rddreg [dreg:$0x1]  }
0x3: {  	s8 =	rddreg [dreg:$0x2]  }
0x4: {  	s9 =	rddreg [dreg:$0x3];
	s3 =	srdreg.scid  }
0x5: {  	s2 =	simm.s32 $0x0;
	s1 =	stileid.u32;
	s14 =	simm.s32 $0x9180  }
0x6: {  	s15 =	simm.s32 $0x9980;
	s16 =	simm.s32 $0xA180;
	s17 =	simm.s32 $0xA980  }
0x7: {  	s18 =	simm.s32 $0xB180;
	s19 =	simm.s32 $0xB980;
	s20 =	simm.s32 $0xC180  }
0x8: {  	s21 =	simm.s32 $0xC980;
	s22 =	simm.s32 $0xD180;
	s23 =	simm.s32 $0xD980  }
0x9: {  	s24 =	simm.s32 $0xE180;
	s25 =	simm.s32 $0xE980;
	[smem:$0x7FF] =	sst s2  }
0xa: {  	s26 =	simm.s32 $0xF180;
	_ =	strace $0x80000047;
	[dreg:$0xb] =	wrdreg s14  }
0xb: {  	s28 =	simm.s32 $0x8180;
	s29 =	simm.s32 $0x2;
	[dreg:$0xc] =	wrdreg s15  }
0xc: {  	s30 =	simm.s32 $0x0;
	s10 =	sand.u32 $0x1, s3;
	[dreg:$0xd] =	wrdreg s16  }
0xd: {  	s31 =	sshll.u32 s1, $0xB;
	s3 =	sadd.s32 $0x1C00, s6;
	[dreg:$0xe] =	wrdreg s17  }
0xe: {  	s13 =	sshll.u32 s1, $0x11;
	s4 =	sshll.u32 s10, $0xA;
	[dreg:$0xf] =	wrdreg s18  }
0xf: {  	s5 =	ssub.s32 $0x2, s10;
	s0 =	sadd.s32 s13, s0;
	[dreg:$0x10] =	wrdreg s19  }
0x10: {  	s10 =	sshll.u32 s10, $0x10;
	s13 =	simm.s32 $0x8980;
	[dreg:$0x11] =	wrdreg s20  }
0x11: {  	s14 =	simm.s32 $0x2180;
	s15 =	simm.s32 $0x2980;
	[dreg:$0x12] =	wrdreg s21  }
0x12: {  	s16 =	simm.s32 $0x3180;
	s17 =	simm.s32 $0x3980;
	[dreg:$0x13] =	wrdreg s22  }
0x13: {  	s18 =	simm.s32 $0x4180;
	s19 =	simm.s32 $0x4980;
	[dreg:$0x14] =	wrdreg s23  }
0x14: {  	s20 =	simm.s32 $0x5180;
	s21 =	simm.s32 $0x5980;
	[dreg:$0x15] =	wrdreg s24  }
0x15: {  	s22 =	simm.s32 $0x6180;
	s23 =	simm.s32 $0x6980;
	[dreg:$0x16] =	wrdreg s25  }
0x16: {  	s24 =	simm.s32 $0x7180;
	[dreg:$0x17] =	wrdreg s26;
	s25 =	simm.s32 $0x7980  }
0x17: {  	s26 =	simm.s32 $0x1;
	s4 =	sor.u32 s4, s31;
	s7 =	sshrl.u32 s5, $0x1  }
0x18: {  	[dreg:$0xa] =	wrdreg s13;
	s13 =	simm.s32 $0x1980;
	s31 =	simm.s32 $0xF980  }
0x19: {  	s11 =	sshrl.u32 s4, $0x3;
	s4 =	sadd.s32 $0x2000, s6;
	s7 =	ssub.s32 s5, s7  }
0x1a: {  	s5 =	sadd.s32 $0x1D00, s6;
	[dreg:$0x18] =	wrdreg s31;
	s7 =	smax.u32 s7, $0x1  }
0x1b: {  	s12 =	sadd.s32 s11, s6;
	s9 =	sadd.s32 s11, s9;
	[dreg:$0x19] =	wrdreg s7  }
0x1c: {  	s6 =	sadd.s32 $0x2100, s6;
	[dreg:$0x5] =	wrdreg s9;
	s1 =	sadd.s32 $0xC00, s12  }
0x1d: {  	s7 =	sadd.s32 s11, s8;
	s8 =	sadd.s32 s10, s0;
	[dreg:$0x6] =	wrdreg s1  }
0x1e: {  	v2 =	vlaneseq.u32;
	s11 =	simm.s32 $0x80;
	s9 =	simm.s32 $0x3;
	[dreg:$0x7] =	wrdreg s7  }
0x1f: {  	vm0 =	vmmov $0xffff;
	v1 =	vshrl.u32 v2, $0x3;
	s12 =	simm.s32 $0x100;
	s10 =	simm.s32 $0x180;
	[dreg:$0x8] =	wrdreg s11  }
0x20: {  	v0 =	vand.u32 $0x7, v2;
	v2 =	vor.u32 $0x8, v2;
	v1 =	vmul.u32 $0x8, v1;
	[dreg:$0x9] =	wrdreg s12;
	s11 =	simm.s32 $0x980;
	s12 =	simm.s32 $0x1180  }
.LBB2_1:
0x21: {  	s31 =	smov.u32 s8;
	s0 =	simm.s32 $0x0  }
.LBB2_2:
0x22: {  	s1 =	rddreg [dreg:$0x7]  }
0x23: {  	s1 =	sadd.s32 s0, s1  }
0x24: {  	[tilespmem:s2], [sflag:$0x3] =	stream.linear.gather [hbm4b:s1+s2], $0x40, $0x38;
	[tilespmem:$0x10180] =	vst v63  }
0x25: {  	_ =	swait.ge [sflag:s9], $0x40  }
0x26: {  	s1 =	rddreg [dreg:$0x6];
	[sflag:s9] =	ssyncset.done $0x0  }
0x27: {  	s7 =	rddreg [dreg:$0x8];
	[sflag:s9] =	ssyncadd.s32 $0xFFFFFFC0;
	s1 =	sadd.s32 s0, s1  }
0x28: {  	[tilespmem:s7], [sflag:$0x3] =	stream.linear.gather [hbm4b:s1+s2], $0x40, $0x38;
	[tilespmem:$0x10180] =	vst v63  }
0x29: {  	_ =	swait.ge [sflag:s9], $0x40  }
0x2a: {  	s1 =	rddreg [dreg:$0x5];
	[sflag:s9] =	ssyncset.done $0x0  }
0x2b: {  	s7 =	rddreg [dreg:$0x9];
	[sflag:s9] =	ssyncadd.s32 $0xFFFFFFC0;
	s1 =	sadd.s32 s0, s1  }
0x2c: {  	[tilespmem:s7], [sflag:$0x3] =	stream.linear.gather [hbm4b:s1+s2], $0x40, $0x38;
	[tilespmem:$0x10180] =	vst v63  }
0x2d: {  	_ =	swait.ge [sflag:s9], $0x40  }
0x2e: {  	[sflag:s9] =	ssyncset.done $0x0  }
0x2f: {  	[sflag:s9] =	ssyncadd.s32 $0xFFFFFFC0  }
0x30: {  	v3 =	vld [tilespmem:$0x0];
	_ =	sdelay $0x4  }
0x31: {  	v4 =	vshll.u32 v3, $0x2  }
0x32: {  	v3 =	vand.u32 $0x7, v3;
	v4 =	vand.u32 $0xFFFFFFE0, v4  }
0x33: {  	v3 =	vor.u32 v3, v4  }
0x34: {  	v4 =	vperm.xlane v3, v0;
	_ =	sdelay $0x1  }
0x35: {  	v4 =	vadd.s32 v1, v4;
	_ =	sdelay $0x1  }
0x36: {  	v3 =	vperm.xlane v3, v2;
	_ =	sdelay $0x1  }
0x37: {  	v3 =	vadd.s32 v1, v3  }
0x38: {  	[tilespmem:s10], [sflag:$0x1] =	stream.indirect_vreg.gather [hbm4b:s3+s2], $0x80, v4, vm0, $0xb8;
	[tilespmem:$0x10180] =	vst v63  }
0x39: {  	_ = 	snop  }
0x3a: {  	[tilespmem:s11], [sflag:$0x1] =	stream.indirect_vreg.gather [hbm4b:s5+s2], $0x80, v4, vm0, $0xb8;
	[tilespmem:$0x10180] =	vst v63  }
0x3b: {  	_ = 	snop  }
0x3c: {  	[tilespmem:s12], [sflag:$0x1] =	stream.indirect_vreg.gather [hbm4b:s3+s2], $0x80, v3, vm0, $0xb8;
	[tilespmem:$0x10180] =	vst v63  }
0x3d: {  	_ = 	snop  }
0x3e: {  	[tilespmem:s13], [sflag:$0x1] =	stream.indirect_vreg.gather [hbm4b:s5+s2], $0x80, v3, vm0, $0xb8;
	[tilespmem:$0x10180] =	vst v63  }
0x3f: {  	v3 =	vld [tilespmem:$0x10];
	_ =	sdelay $0x4  }
0x40: {  	v53 =	vshll.u32 v3, $0x2  }
0x41: {  	v3 =	vand.u32 $0x7, v3;
	v4 =	vand.u32 $0xFFFFFFE0, v53  }
0x42: {  	v3 =	vor.u32 v3, v4  }
0x43: {  	v4 =	vperm.xlane v3, v0;
	_ =	sdelay $0x1  }
0x44: {  	v4 =	vadd.s32 v1, v4;
	_ =	sdelay $0x1  }
0x45: {  	v3 =	vperm.xlane v3, v2;
	_ =	sdelay $0x1  }
0x46: {  	v3 =	vadd.s32 v1, v3  }
0x47: {  	[tilespmem:s14], [sflag:$0x1] =	stream.indirect_vreg.gather [hbm4b:s3+s2], $0x80, v4, vm0, $0xb8;
	[tilespmem:$0x10180] =	vst v63  }
0x48: {  	_ = 	snop  }
0x49: {  	[tilespmem:s15], [sflag:$0x1] =	stream.indirect_vreg.gather [hbm4b:s5+s2], $0x80, v4, vm0, $0xb8;
	[tilespmem:$0x10180] =	vst v63  }
0x4a: {  	_ = 	snop  }
0x4b: {  	[tilespmem:s16], [sflag:$0x1] =	stream.indirect_vreg.gather [hbm4b:s3+s2], $0x80, v3, vm0, $0xb8;
	[tilespmem:$0x10180] =	vst v63  }
0x4c: {  	_ = 	snop  }
0x4d: {  	[tilespmem:s17], [sflag:$0x1] =	stream.indirect_vreg.gather [hbm4b:s5+s2], $0x80, v3, vm0, $0xb8;
	[tilespmem:$0x10180] =	vst v63  }
0x4e: {  	v3 =	vld [tilespmem:$0x20];
	_ =	sdelay $0x4  }
0x4f: {  	v54 =	vshll.u32 v3, $0x2  }
0x50: {  	v3 =	vand.u32 $0x7, v3;
	v4 =	vand.u32 $0xFFFFFFE0, v54  }
0x51: {  	v3 =	vor.u32 v3, v4  }
0x52: {  	v4 =	vperm.xlane v3, v0;
	_ =	sdelay $0x1  }
0x53: {  	v4 =	vadd.s32 v1, v4;
	_ =	sdelay $0x1  }
0x54: {  	v3 =	vperm.xlane v3, v2;
	_ =	sdelay $0x1  }
0x55: {  	v3 =	vadd.s32 v1, v3  }
0x56: {  	[tilespmem:s18], [sflag:$0x1] =	stream.indirect_vreg.gather [hbm4b:s3+s2], $0x80, v4, vm0, $0xb8;
	[tilespmem:$0x10180] =	vst v63  }
0x57: {  	_ = 	snop  }
0x58: {  	[tilespmem:s19], [sflag:$0x1] =	stream.indirect_vreg.gather [hbm4b:s5+s2], $0x80, v4, vm0, $0xb8;
	[tilespmem:$0x10180] =	vst v63  }
0x59: {  	_ = 	snop  }
0x5a: {  	[tilespmem:s20], [sflag:$0x1] =	stream.indirect_vreg.gather [hbm4b:s3+s2], $0x80, v3, vm0, $0xb8;
	[tilespmem:$0x10180] =	vst v63  }
0x5b: {  	_ = 	snop  }
0x5c: {  	[tilespmem:s21], [sflag:$0x1] =	stream.indirect_vreg.gather [hbm4b:s5+s2], $0x80, v3, vm0, $0xb8;
	[tilespmem:$0x10180] =	vst v63  }
0x5d: {  	v3 =	vld [tilespmem:$0x30];
	_ =	sdelay $0x4  }
0x5e: {  	v55 =	vshll.u32 v3, $0x2  }
0x5f: {  	v3 =	vand.u32 $0x7, v3;
	v4 =	vand.u32 $0xFFFFFFE0, v55  }
0x60: {  	v3 =	vor.u32 v3, v4  }
0x61: {  	v4 =	vperm.xlane v3, v0;
	_ =	sdelay $0x1  }
0x62: {  	v4 =	vadd.s32 v1, v4;
	_ =	sdelay $0x1  }
0x63: {  	v3 =	vperm.xlane v3, v2;
	_ =	sdelay $0x1  }
0x64: {  	v3 =	vadd.s32 v1, v3  }
0x65: {  	[tilespmem:s22], [sflag:$0x1] =	stream.indirect_vreg.gather [hbm4b:s3+s2], $0x80, v4, vm0, $0xb8;
	[tilespmem:$0x10180] =	vst v63  }
0x66: {  	_ = 	snop  }
0x67: {  	[tilespmem:s23], [sflag:$0x1] =	stream.indirect_vreg.gather [hbm4b:s5+s2], $0x80, v4, vm0, $0xb8;
	[tilespmem:$0x10180] =	vst v63  }
0x68: {  	_ = 	snop  }
0x69: {  	[tilespmem:s24], [sflag:$0x1] =	stream.indirect_vreg.gather [hbm4b:s3+s2], $0x80, v3, vm0, $0xb8;
	[tilespmem:$0x10180] =	vst v63  }
0x6a: {  	_ = 	snop  }
0x6b: {  	[tilespmem:s25], [sflag:$0x1] =	stream.indirect_vreg.gather [hbm4b:s5+s2], $0x80, v3, vm0, $0xb8;
	[tilespmem:$0x10180] =	vst v63  }
0x6c: {  	_ =	swait.ge [sflag:s26], $0x8000  }
0x6d: {  	[sflag:s26] =	ssyncset.done $0x0  }
0x6e: {  	[sflag:s26] =	ssyncadd.s32 $0xFFFF8000  }
0x6f: {  	[tilespmem:s28], [sflag:$0x3] =	stream.linear.gather [hbm4b:s31+s2], $0x8000, $0x38;
	[tilespmem:$0x10180] =	vst v63  }
0x70: {  	_ =	swait.ge [sflag:s9], $0x8000  }
0x71: {  	[sflag:s9] =	ssyncset.done $0x0  }
0x72: {  	[sflag:s9] =	ssyncadd.s32 $0xFFFF8000  }
0x73: {  	v3 =	vld [tilespmem:$0x100];
	_ =	sdelay $0x4  }
0x74: {  	v56 =	vshll.u32 v3, $0x2  }
0x75: {  	v3 =	vand.u32 $0x7, v3;
	v4 =	vand.u32 $0xFFFFFFE0, v56  }
0x76: {  	v3 =	vor.u32 v3, v4  }
0x77: {  	v4 =	vperm.xlane v3, v0;
	_ =	sdelay $0x1  }
0x78: {  	v4 =	vadd.s32 v1, v4;
	_ =	sdelay $0x1  }
0x79: {  	v3 =	vperm.xlane v3, v2;
	_ =	sdelay $0x1  }
0x7a: {  	v3 =	vadd.s32 v1, v3  }
0x7b: {  	[hbm4b:s4+s2] =	stream.indirect_vreg.scatter [tilespmem:s28], [sflag:$0x1], $0x80, v4, vm0, $0xb8;
	[tilespmem:$0x10180] =	vst v63  }
0x7c: {  	s1 =	rddreg [dreg:$0xa]  }
0x7d: {  	[hbm4b:s6+s2] =	stream.indirect_vreg.scatter [tilespmem:s1], [sflag:$0x1], $0x80, v4, vm0, $0xb8;
	[tilespmem:$0x10180] =	vst v63  }
0x7e: {  	s7 =	rddreg [dreg:$0xb]  }
0x7f: {  	[hbm4b:s4+s2] =	stream.indirect_vreg.scatter [tilespmem:s7], [sflag:$0x1], $0x80, v3, vm0, $0xb8;
	[tilespmem:$0x10180] =	vst v63  }
0x80: {  	s1 =	rddreg [dreg:$0xc]  }
0x81: {  	[hbm4b:s6+s2] =	stream.indirect_vreg.scatter [tilespmem:s1], [sflag:$0x1], $0x80, v3, vm0, $0xb8;
	[tilespmem:$0x10180] =	vst v63  }
0x82: {  	v3 =	vld [tilespmem:$0x110];
	_ =	sdelay $0x4  }
0x83: {  	v57 =	vshll.u32 v3, $0x2  }
0x84: {  	v3 =	vand.u32 $0x7, v3;
	v4 =	vand.u32 $0xFFFFFFE0, v57  }
0x85: {  	v3 =	vor.u32 v3, v4  }
0x86: {  	v4 =	vperm.xlane v3, v0;
	_ =	sdelay $0x1  }
0x87: {  	v4 =	vadd.s32 v1, v4;
	_ =	sdelay $0x1  }
0x88: {  	v3 =	vperm.xlane v3, v2;
	_ =	sdelay $0x1  }
0x89: {  	s1 =	rddreg [dreg:$0xd];
	v3 =	vadd.s32 v1, v3  }
0x8a: {  	[hbm4b:s4+s2] =	stream.indirect_vreg.scatter [tilespmem:s1], [sflag:$0x1], $0x80, v4, vm0, $0xb8;
	[tilespmem:$0x10180] =	vst v63  }
0x8b: {  	s7 =	rddreg [dreg:$0xe]  }
0x8c: {  	[hbm4b:s6+s2] =	stream.indirect_vreg.scatter [tilespmem:s7], [sflag:$0x1], $0x80, v4, vm0, $0xb8;
	[tilespmem:$0x10180] =	vst v63  }
0x8d: {  	s1 =	rddreg [dreg:$0xf]  }
0x8e: {  	[hbm4b:s4+s2] =	stream.indirect_vreg.scatter [tilespmem:s1], [sflag:$0x1], $0x80, v3, vm0, $0xb8;
	[tilespmem:$0x10180] =	vst v63  }
0x8f: {  	s7 =	rddreg [dreg:$0x10]  }
0x90: {  	[hbm4b:s6+s2] =	stream.indirect_vreg.scatter [tilespmem:s7], [sflag:$0x1], $0x80, v3, vm0, $0xb8;
	[tilespmem:$0x10180] =	vst v63  }
0x91: {  	v3 =	vld [tilespmem:$0x120];
	_ =	sdelay $0x4  }
0x92: {  	v58 =	vshll.u32 v3, $0x2  }
0x93: {  	v3 =	vand.u32 $0x7, v3;
	v4 =	vand.u32 $0xFFFFFFE0, v58  }
0x94: {  	v3 =	vor.u32 v3, v4  }
0x95: {  	v4 =	vperm.xlane v3, v0;
	_ =	sdelay $0x1  }
0x96: {  	v4 =	vadd.s32 v1, v4;
	_ =	sdelay $0x1  }
0x97: {  	v3 =	vperm.xlane v3, v2;
	_ =	sdelay $0x1  }
0x98: {  	s1 =	rddreg [dreg:$0x11];
	v3 =	vadd.s32 v1, v3  }
0x99: {  	[hbm4b:s4+s2] =	stream.indirect_vreg.scatter [tilespmem:s1], [sflag:$0x1], $0x80, v4, vm0, $0xb8;
	[tilespmem:$0x10180] =	vst v63  }
0x9a: {  	s7 =	rddreg [dreg:$0x12]  }
0x9b: {  	[hbm4b:s6+s2] =	stream.indirect_vreg.scatter [tilespmem:s7], [sflag:$0x1], $0x80, v4, vm0, $0xb8;
	[tilespmem:$0x10180] =	vst v63  }
0x9c: {  	s1 =	rddreg [dreg:$0x13]  }
0x9d: {  	[hbm4b:s4+s2] =	stream.indirect_vreg.scatter [tilespmem:s1], [sflag:$0x1], $0x80, v3, vm0, $0xb8;
	[tilespmem:$0x10180] =	vst v63  }
0x9e: {  	s7 =	rddreg [dreg:$0x14]  }
0x9f: {  	[hbm4b:s6+s2] =	stream.indirect_vreg.scatter [tilespmem:s7], [sflag:$0x1], $0x80, v3, vm0, $0xb8;
	[tilespmem:$0x10180] =	vst v63  }
0xa0: {  	v3 =	vld [tilespmem:$0x130];
	_ =	sdelay $0x4  }
0xa1: {  	v59 =	vshll.u32 v3, $0x2  }
0xa2: {  	v3 =	vand.u32 $0x7, v3;
	v4 =	vand.u32 $0xFFFFFFE0, v59  }
0xa3: {  	v3 =	vor.u32 v3, v4  }
0xa4: {  	v4 =	vperm.xlane v3, v0;
	_ =	sdelay $0x1  }
0xa5: {  	v4 =	vadd.s32 v1, v4;
	_ =	sdelay $0x1  }
0xa6: {  	v3 =	vperm.xlane v3, v2;
	_ =	sdelay $0x1  }
0xa7: {  	s1 =	rddreg [dreg:$0x15];
	v3 =	vadd.s32 v1, v3  }
0xa8: {  	[hbm4b:s4+s2] =	stream.indirect_vreg.scatter [tilespmem:s1], [sflag:$0x1], $0x80, v4, vm0, $0xb8;
	[tilespmem:$0x10180] =	vst v63  }
0xa9: {  	s7 =	rddreg [dreg:$0x16]  }
0xaa: {  	[hbm4b:s6+s2] =	stream.indirect_vreg.scatter [tilespmem:s7], [sflag:$0x1], $0x80, v4, vm0, $0xb8;
	[tilespmem:$0x10180] =	vst v63  }
0xab: {  	s1 =	rddreg [dreg:$0x17]  }
0xac: {  	[hbm4b:s4+s2] =	stream.indirect_vreg.scatter [tilespmem:s1], [sflag:$0x1], $0x80, v3, vm0, $0xb8;
	[tilespmem:$0x10180] =	vst v63  }
0xad: {  	s7 =	rddreg [dreg:$0x18]  }
0xae: {  	[hbm4b:s6+s2] =	stream.indirect_vreg.scatter [tilespmem:s7], [sflag:$0x1], $0x80, v3, vm0, $0xb8;
	[tilespmem:$0x10180] =	vst v63  }
0xaf: {  	_ =	swait.ge [sflag:s26], $0x8000  }
0xb0: {  	[sflag:s26] =	ssyncset.done $0x0  }
0xb1: {  	[sflag:s26] =	ssyncadd.s32 $0xFFFF8000  }
0xb2: {  	v3 =	vld [tilespmem:$0x80];
	_ =	sdelay $0x4  }
0xb3: {  	v60 =	vshll.u32 v3, $0x2  }
0xb4: {  	v3 =	vand.u32 $0x7, v3;
	v4 =	vand.u32 $0xFFFFFFE0, v60  }
0xb5: {  	v3 =	vor.u32 v3, v4  }
0xb6: {  	v4 =	vperm.xlane v3, v0;
	_ =	sdelay $0x1  }
0xb7: {  	v4 =	vadd.s32 v1, v4;
	_ =	sdelay $0x1  }
0xb8: {  	v3 =	vperm.xlane v3, v2;
	_ =	sdelay $0x1  }
0xb9: {  	v3 =	vadd.s32 v1, v3  }
0xba: {  	[hbm4b:s4+s2] =	stream.indirect_vreg.scatter [tilespmem:s10], [sflag:$0x2], $0x80, v4, vm0, $0xb8;
	[tilespmem:$0x10180] =	vst v63  }
0xbb: {  	_ = 	snop  }
0xbc: {  	[hbm4b:s6+s2] =	stream.indirect_vreg.scatter [tilespmem:s11], [sflag:$0x2], $0x80, v4, vm0, $0xb8;
	[tilespmem:$0x10180] =	vst v63  }
0xbd: {  	_ = 	snop  }
0xbe: {  	[hbm4b:s4+s2] =	stream.indirect_vreg.scatter [tilespmem:s12], [sflag:$0x2], $0x80, v3, vm0, $0xb8;
	[tilespmem:$0x10180] =	vst v63  }
0xbf: {  	_ = 	snop  }
0xc0: {  	[hbm4b:s6+s2] =	stream.indirect_vreg.scatter [tilespmem:s13], [sflag:$0x2], $0x80, v3, vm0, $0xb8;
	[tilespmem:$0x10180] =	vst v63  }
0xc1: {  	v3 =	vld [tilespmem:$0x90];
	_ =	sdelay $0x4  }
0xc2: {  	v61 =	vshll.u32 v3, $0x2  }
0xc3: {  	v3 =	vand.u32 $0x7, v3;
	v4 =	vand.u32 $0xFFFFFFE0, v61  }
0xc4: {  	v3 =	vor.u32 v3, v4  }
0xc5: {  	v4 =	vperm.xlane v3, v0;
	_ =	sdelay $0x1  }
0xc6: {  	v4 =	vadd.s32 v1, v4;
	_ =	sdelay $0x1  }
0xc7: {  	v3 =	vperm.xlane v3, v2;
	_ =	sdelay $0x1  }
0xc8: {  	v3 =	vadd.s32 v1, v3  }
0xc9: {  	[hbm4b:s4+s2] =	stream.indirect_vreg.scatter [tilespmem:s14], [sflag:$0x2], $0x80, v4, vm0, $0xb8;
	[tilespmem:$0x10180] =	vst v63  }
0xca: {  	_ = 	snop  }
0xcb: {  	[hbm4b:s6+s2] =	stream.indirect_vreg.scatter [tilespmem:s15], [sflag:$0x2], $0x80, v4, vm0, $0xb8;
	[tilespmem:$0x10180] =	vst v63  }
0xcc: {  	_ = 	snop  }
0xcd: {  	[hbm4b:s4+s2] =	stream.indirect_vreg.scatter [tilespmem:s16], [sflag:$0x2], $0x80, v3, vm0, $0xb8;
	[tilespmem:$0x10180] =	vst v63  }
0xce: {  	_ = 	snop  }
0xcf: {  	[hbm4b:s6+s2] =	stream.indirect_vreg.scatter [tilespmem:s17], [sflag:$0x2], $0x80, v3, vm0, $0xb8;
	[tilespmem:$0x10180] =	vst v63  }
0xd0: {  	v3 =	vld [tilespmem:$0xA0];
	_ =	sdelay $0x4  }
0xd1: {  	v62 =	vshll.u32 v3, $0x2  }
0xd2: {  	v3 =	vand.u32 $0x7, v3;
	v4 =	vand.u32 $0xFFFFFFE0, v62  }
0xd3: {  	v3 =	vor.u32 v3, v4  }
0xd4: {  	v4 =	vperm.xlane v3, v0;
	_ =	sdelay $0x1  }
0xd5: {  	v4 =	vadd.s32 v1, v4;
	_ =	sdelay $0x1  }
0xd6: {  	v3 =	vperm.xlane v3, v2;
	_ =	sdelay $0x1  }
0xd7: {  	v3 =	vadd.s32 v1, v3  }
0xd8: {  	[hbm4b:s4+s2] =	stream.indirect_vreg.scatter [tilespmem:s18], [sflag:$0x2], $0x80, v4, vm0, $0xb8;
	[tilespmem:$0x10180] =	vst v63  }
0xd9: {  	_ = 	snop  }
0xda: {  	[hbm4b:s6+s2] =	stream.indirect_vreg.scatter [tilespmem:s19], [sflag:$0x2], $0x80, v4, vm0, $0xb8;
	[tilespmem:$0x10180] =	vst v63  }
0xdb: {  	_ = 	snop  }
0xdc: {  	[hbm4b:s4+s2] =	stream.indirect_vreg.scatter [tilespmem:s20], [sflag:$0x2], $0x80, v3, vm0, $0xb8;
	[tilespmem:$0x10180] =	vst v63  }
0xdd: {  	_ = 	snop  }
0xde: {  	[hbm4b:s6+s2] =	stream.indirect_vreg.scatter [tilespmem:s21], [sflag:$0x2], $0x80, v3, vm0, $0xb8;
	[tilespmem:$0x10180] =	vst v63  }
0xdf: {  	v3 =	vld [tilespmem:$0xB0];
	_ =	sdelay $0x4  }
0xe0: {  	v63 =	vshll.u32 v3, $0x2  }
0xe1: {  	v3 =	vand.u32 $0x7, v3;
	v4 =	vand.u32 $0xFFFFFFE0, v63  }
0xe2: {  	v3 =	vor.u32 v3, v4  }
0xe3: {  	v4 =	vperm.xlane v3, v0;
	_ =	sdelay $0x1  }
0xe4: {  	v4 =	vadd.s32 v1, v4;
	_ =	sdelay $0x1  }
0xe5: {  	v3 =	vperm.xlane v3, v2;
	_ =	sdelay $0x1  }
0xe6: {  	v3 =	vadd.s32 v1, v3  }
0xe7: {  	[hbm4b:s4+s2] =	stream.indirect_vreg.scatter [tilespmem:s22], [sflag:$0x2], $0x80, v4, vm0, $0xb8;
	[tilespmem:$0x10180] =	vst v63  }
0xe8: {  	_ = 	snop  }
0xe9: {  	[hbm4b:s6+s2] =	stream.indirect_vreg.scatter [tilespmem:s23], [sflag:$0x2], $0x80, v4, vm0, $0xb8;
	[tilespmem:$0x10180] =	vst v63  }
0xea: {  	p0 =	sne.s32 s0, $0x78  }
0xeb: {  	[hbm4b:s4+s2] =	stream.indirect_vreg.scatter [tilespmem:s24], [sflag:$0x2], $0x80, v3, vm0, $0xb8;
	[tilespmem:$0x10180] =	vst v63  }
.Ltmp0:
0xec: {  	_ = 	snop;
	(pc) =	sbr.rel @p0 .LBB2_2-.Ltmp0, $4  }
0xed: {  	[hbm4b:s6+s2] =	stream.indirect_vreg.scatter [tilespmem:s25], [sflag:$0x2], $0x80, v3, vm0, $0xb8;
	[tilespmem:$0x10180] =	vst v63  }
0xee: {  	_ =	swait.ge [sflag:s29], $0x8000  }
0xef: {  	[sflag:s29] =	ssyncset.done $0x0  }
0xf0: {  	s0 =	sadd.s32 $0x8, s0;
	s31 =	sadd.s32 $0x1000, s31;
	[sflag:s29] =	ssyncadd.s32 $0xFFFF8000  }
0xf1: {  	s30 =	sadd.s32 $0x1, s30;
	s0 =	rddreg [dreg:$0x19]  }
0xf2: {  	p0 =	sne.s32 s30, s0  }
.Ltmp1:
0xf3: {  	_ = 	snop;
	(pc) =	sbr.rel @p0 .LBB2_1-.Ltmp1, $1  }
0xf4: {  	_ =	sdelay $0x3  }
0xf5: {  	_ =	sfence.sel $0x180000  }
0xf6: {  	[bflag:$0x0] =	sbarrier.arrive $0xFFFF  }
0xf7: {  	_ =	strace $0x90000047  }
0xf8: {  	s0 =	stileid.u32;
	[bflag:$0x2] =	sbarrier.arrive $0xFFFF  }
0xf9: {  	p0 =	sne.s32 s0, $0x0;
	s0 =	rddreg [dreg:$0x4]  }
0xfa: {  	s0 =	sadd.s32 @!p0 $0x100000, s0  }
0xfb: {  	[sflag:s0] =	ssyncadd.tile.s32 @!p0 $0x1;
	_ =	shalt  }
.Lfunc_end2:
_tile_overlayer_lowered:
.L_overlay_start_2:
0xfc: {  	(tag) =	ssettag $0x2  }
0xfd: {  	s0 =	rddreg [dreg:$0x0];
	s2 =	stileid.u32  }
0xfe: {  	s1 =	rddreg [dreg:$0x1];
	p0 =	sne.s32 s2, $0x0  }
0xff: {  	s3 =	rddreg [dreg:$0x2];
	[bflag:$0x3] =	sbarrier.arrive $0xFFFF;
	s2 =	simm.s32 @!p0 $0x1C03  }
0x100: {  	[timem:s3], [sflag:s2] =	dma.local @!p0 [hbm:s0], s1  }
0x101: {  	s0 =	simm.s32 @!p0 $0x3  }
0x102: {  	_ =	swait.ge @!p0 [sflag:s0], s1  }
0x103: {  	s1 =	ssub.s32 @!p0 $0x0, s1;
	[sflag:s0] =	ssyncset.done @!p0 $0x0  }
0x104: {  	[sflag:s0] =	ssyncadd.s32 @!p0 s1  }
0x105: {  	[bflag:$0x3] =	sbarrier.arrive $0xFFFF  }
0x106: {  	_ =	shalt  }

</sc_bundles>
